<compile_context>
chip_gen: v7x
topology: tpu7x:2x2x1
jax: 0.10.2.dev20260603
libtpu: 0.0.44.dev20260713+nightly
codegen_flags: <defaults>
</compile_context>

<pallas_src>
import functools

import jax
import jax.numpy as jnp
from jax import lax
from jax.experimental import pallas as pl
from jax.experimental.pallas import tpu as pltpu
from jax.experimental.pallas import tpu_sc as plsc

_SAMPLE_N = 16384
_FEAT = 128
_NC = 2
_NS = 16
_NW = _NC * _NS
_ROWS_PER_W = _SAMPLE_N // _NW


def _make_sc_kernel():
    mesh = plsc.VectorSubcoreMesh(core_axis_name="c", subcore_axis_name="s")

    n_chunk = 4
    chunk = _ROWS_PER_W // n_chunk

    @functools.partial(
        pl.kernel,
        mesh=mesh,
        out_type=jax.ShapeDtypeStruct((_SAMPLE_N, _FEAT), jnp.float32),
        scratch_types=[
            pltpu.VMEM((2, chunk, _FEAT), jnp.float32),
            pltpu.SemaphoreType.DMA((2,)),
            pltpu.SemaphoreType.DMA((2,)),
        ],
    )
    def k(ds_hbm, out_hbm, buf, in_sems, out_sems):
        wid = lax.axis_index("s") * _NC + lax.axis_index("c")
        base = wid * _ROWS_PER_W

        def in_copy(i, slot):
            return pltpu.make_async_copy(
                ds_hbm.at[pl.ds(base + i * chunk, chunk), :],
                buf.at[slot],
                in_sems.at[slot],
            )

        def out_copy(i, slot):
            return pltpu.make_async_copy(
                buf.at[slot],
                out_hbm.at[pl.ds(base + i * chunk, chunk), :],
                out_sems.at[slot],
            )

        in_copy(0, 0).start()
        for i in range(n_chunk):
            slot = i % 2
            nxt = (i + 1) % 2
            if i + 1 < n_chunk:
                if i >= 1:
                    out_copy(i - 1, nxt).wait()
                in_copy(i + 1, nxt).start()
            in_copy(i, slot).wait()
            out_copy(i, slot).start()
        out_copy(n_chunk - 2, (n_chunk - 2) % 2).wait()
        out_copy(n_chunk - 1, (n_chunk - 1) % 2).wait()

    return k


_sc_kernel = _make_sc_kernel()


def kernel(dataset):
    return _sc_kernel(dataset)

# --- scband reference (transcript-rebuilt; emitter-appended) ---
"""Pipeline reference for scband-uniform-sample-61177514164840 (READ-ONLY COPY).

The authoritative reference and input builder live on the scoring server;
editing this copy changes nothing except your own understanding.
"""

import jax, jax.numpy as jnp
import numpy as np

SAMPLE_N = 16384

def setup_inputs(seed: int = 0) -> dict:
    key = jax.random.key(seed)
    dataset = jax.random.normal(key, (100000, 128), dtype=jnp.float32)
    return {"dataset": dataset}

def reference(dataset):
    # Faithful to: torch.cat([dataset[i].unsqueeze(0) for i in range(sample_n)])
    # i.e. gather the first sample_n rows and stack them.
    idx = jnp.arange(SAMPLE_N)
    data = jnp.take(dataset, idx, axis=0)
    return data

if __name__ == "__main__":
    import jax
    _d = setup_inputs()
    print(jax.jit(kernel)(*tuple(_d.values())))

</pallas_src>

<mosaic_0001>
#map = affine_map<(d0, d1) -> (0, 0)>
module attributes {stable_mosaic.version = 14 : i64} {
  func.func @k(%arg0: i32, %arg1: i32, %arg2: memref<100000x128xf32, #tpu.memory_space<hbm>>, %arg3: memref<16384x128xf32, #tpu.memory_space<hbm>>, %arg4: memref<2x128x128xf32, #tpu.memory_space<vmem>>, %arg5: memref<2x!tpu.dma_semaphore, #tpu.memory_space<semaphore_mem>>, %arg6: memref<2x!tpu.dma_semaphore, #tpu.memory_space<semaphore_mem>>) attributes {dimension_semantics = [#tpu.dimension_semantics<core_parallel>, #tpu.dimension_semantics<subcore_parallel>], iteration_bounds = array<i64: 2, 16>, scalar_prefetch = 0 : i64, scratch_operands = 3 : i64, tpu.core_type = #tpu.core_type<sc_vector_subcore>, window_params = [{transform_indices = #map}, {transform_indices = #map}]} {
    %mul3A = arith.constant 2 : i32
    %mul3A_0 = arith.muli %arg1, %mul3A : i32
    %add3A = arith.addi %mul3A_0, %arg0 : i32
    %mul3A_1 = arith.constant 512 : i32
    %mul3A_2 = arith.muli %add3A, %mul3A_1 : i32
    %add3A_3 = arith.constant 0 : i32
    %add3A_4 = arith.addi %mul3A_2, %add3A_3 : i32
    %dma_start3A = arith.constant 0 : i32
    %dma_start3A_5 = arith.constant 0 : i32
    %dma_start3A_6 = arith.constant 0 : i32
    %dma_start3A_7 = arith.constant 0 : i32
    %dma_start3A_8 = tpu.memref_slice %arg4[%dma_start3A, %dma_start3A_6, %dma_start3A_7] : memref<2x128x128xf32, #tpu.memory_space<vmem>> -> memref<1x128x128xf32, #tpu.memory_space<vmem>>
    %dma_start3A_9 = tpu.memref_squeeze %dma_start3A_8 : memref<1x128x128xf32, #tpu.memory_space<vmem>> -> memref<128x128xf32, #tpu.memory_space<vmem>>
    %dma_start3A_10 = arith.constant 0 : i32
    %dma_start3A_11 = tpu.memref_slice %arg2[%add3A_4, %dma_start3A_10] : memref<100000x128xf32, #tpu.memory_space<hbm>> -> memref<128x128xf32, #tpu.memory_space<hbm>>
    %dma_start3A_12 = tpu.memref_slice %arg5[%dma_start3A_5] : memref<2x!tpu.dma_semaphore, #tpu.memory_space<semaphore_mem>> -> memref<1x!tpu.dma_semaphore, #tpu.memory_space<semaphore_mem>>
    %dma_start3A_13 = tpu.memref_squeeze %dma_start3A_12 : memref<1x!tpu.dma_semaphore, #tpu.memory_space<semaphore_mem>> -> memref<!tpu.dma_semaphore, #tpu.memory_space<semaphore_mem>>
    %dma_start3A_14 = arith.constant 0 : i32
    %dma_start3A_15 = arith.constant 0 : i32
    %dma_start3A_16 = tpu.memref_slice %arg4[%dma_start3A, %dma_start3A_14, %dma_start3A_15] : memref<2x128x128xf32, #tpu.memory_space<vmem>> -> memref<1x128x128xf32, #tpu.memory_space<vmem>>
    %dma_start3A_17 = tpu.memref_squeeze %dma_start3A_16 : memref<1x128x128xf32, #tpu.memory_space<vmem>> -> memref<128x128xf32, #tpu.memory_space<vmem>>
    %dma_start3A_18 = arith.constant 0 : i32
    %dma_start3A_19 = tpu.memref_slice %arg2[%add3A_4, %dma_start3A_18] : memref<100000x128xf32, #tpu.memory_space<hbm>> -> memref<128x128xf32, #tpu.memory_space<hbm>>
    tpu.enqueue_dma source(%dma_start3A_19 : memref<128x128xf32, #tpu.memory_space<hbm>>) target(%dma_start3A_17 : memref<128x128xf32, #tpu.memory_space<vmem>>) target_semaphore(%dma_start3A_13 : memref<!tpu.dma_semaphore, #tpu.memory_space<semaphore_mem>>)
    %add3A_20 = arith.constant 128 : i32
    %add3A_21 = arith.addi %mul3A_2, %add3A_20 : i32
    %dma_start3A_22 = arith.constant 1 : i32
    %dma_start3A_23 = arith.constant 1 : i32
    %dma_start3A_24 = arith.constant 0 : i32
    %dma_start3A_25 = arith.constant 0 : i32
    %dma_start3A_26 = tpu.memref_slice %arg4[%dma_start3A_22, %dma_start3A_24, %dma_start3A_25] : memref<2x128x128xf32, #tpu.memory_space<vmem>> -> memref<1x128x128xf32, #tpu.memory_space<vmem>>
    %dma_start3A_27 = tpu.memref_squeeze %dma_start3A_26 : memref<1x128x128xf32, #tpu.memory_space<vmem>> -> memref<128x128xf32, #tpu.memory_space<vmem>>
    %dma_start3A_28 = arith.constant 0 : i32
    %dma_start3A_29 = tpu.memref_slice %arg2[%add3A_21, %dma_start3A_28] : memref<100000x128xf32, #tpu.memory_space<hbm>> -> memref<128x128xf32, #tpu.memory_space<hbm>>
    %dma_start3A_30 = tpu.memref_slice %arg5[%dma_start3A_23] : memref<2x!tpu.dma_semaphore, #tpu.memory_space<semaphore_mem>> -> memref<1x!tpu.dma_semaphore, #tpu.memory_space<semaphore_mem>>
    %dma_start3A_31 = tpu.memref_squeeze %dma_start3A_30 : memref<1x!tpu.dma_semaphore, #tpu.memory_space<semaphore_mem>> -> memref<!tpu.dma_semaphore, #tpu.memory_space<semaphore_mem>>
    %dma_start3A_32 = arith.constant 0 : i32
    %dma_start3A_33 = arith.constant 0 : i32
    %dma_start3A_34 = tpu.memref_slice %arg4[%dma_start3A_22, %dma_start3A_32, %dma_start3A_33] : memref<2x128x128xf32, #tpu.memory_space<vmem>> -> memref<1x128x128xf32, #tpu.memory_space<vmem>>
    %dma_start3A_35 = tpu.memref_squeeze %dma_start3A_34 : memref<1x128x128xf32, #tpu.memory_space<vmem>> -> memref<128x128xf32, #tpu.memory_space<vmem>>
    %dma_start3A_36 = arith.constant 0 : i32
    %dma_start3A_37 = tpu.memref_slice %arg2[%add3A_21, %dma_start3A_36] : memref<100000x128xf32, #tpu.memory_space<hbm>> -> memref<128x128xf32, #tpu.memory_space<hbm>>
    tpu.enqueue_dma source(%dma_start3A_37 : memref<128x128xf32, #tpu.memory_space<hbm>>) target(%dma_start3A_35 : memref<128x128xf32, #tpu.memory_space<vmem>>) target_semaphore(%dma_start3A_31 : memref<!tpu.dma_semaphore, #tpu.memory_space<semaphore_mem>>)
    %add3A_38 = arith.constant 0 : i32
    %add3A_39 = arith.addi %mul3A_2, %add3A_38 : i32
    %dma_wait3A = arith.constant 0 : i32
    %dma_wait3A_40 = arith.constant 0 : i32
    %dma_wait3A_41 = arith.constant 0 : i32
    %dma_wait3A_42 = arith.constant 0 : i32
    %dma_wait3A_43 = tpu.memref_slice %arg4[%dma_wait3A, %dma_wait3A_41, %dma_wait3A_42] : memref<2x128x128xf32, #tpu.memory_space<vmem>> -> memref<1x128x128xf32, #tpu.memory_space<vmem>>
    %dma_wait3A_44 = tpu.memref_squeeze %dma_wait3A_43 : memref<1x128x128xf32, #tpu.memory_space<vmem>> -> memref<128x128xf32, #tpu.memory_space<vmem>>
    %dma_wait3A_45 = arith.constant 0 : i32
    %dma_wait3A_46 = tpu.memref_slice %arg2[%add3A_39, %dma_wait3A_45] : memref<100000x128xf32, #tpu.memory_space<hbm>> -> memref<128x128xf32, #tpu.memory_space<hbm>>
    %dma_wait3A_47 = tpu.memref_slice %arg5[%dma_wait3A_40] : memref<2x!tpu.dma_semaphore, #tpu.memory_space<semaphore_mem>> -> memref<1x!tpu.dma_semaphore, #tpu.memory_space<semaphore_mem>>
    %dma_wait3A_48 = tpu.memref_squeeze %dma_wait3A_47 : memref<1x!tpu.dma_semaphore, #tpu.memory_space<semaphore_mem>> -> memref<!tpu.dma_semaphore, #tpu.memory_space<semaphore_mem>>
    %dma_wait3A_49 = arith.constant 0 : i32
    %dma_wait3A_50 = arith.constant 0 : i32
    %dma_wait3A_51 = tpu.memref_slice %arg4[%dma_wait3A, %dma_wait3A_49, %dma_wait3A_50] : memref<2x128x128xf32, #tpu.memory_space<vmem>> -> memref<1x128x128xf32, #tpu.memory_space<vmem>>
    %dma_wait3A_52 = tpu.memref_squeeze %dma_wait3A_51 : memref<1x128x128xf32, #tpu.memory_space<vmem>> -> memref<128x128xf32, #tpu.memory_space<vmem>>
    %dma_wait3A_53 = arith.constant 0 : i32
    %dma_wait3A_54 = tpu.memref_slice %arg2[%add3A_39, %dma_wait3A_53] : memref<100000x128xf32, #tpu.memory_space<hbm>> -> memref<128x128xf32, #tpu.memory_space<hbm>>
    tpu.wait_dma2 semaphore(%dma_wait3A_48 : memref<!tpu.dma_semaphore, #tpu.memory_space<semaphore_mem>>) src(%dma_wait3A_54 : memref<128x128xf32, #tpu.memory_space<hbm>>) dst(%dma_wait3A_52 : memref<128x128xf32, #tpu.memory_space<vmem>>)
    %add3A_55 = arith.constant 0 : i32
    %add3A_56 = arith.addi %mul3A_2, %add3A_55 : i32
    %dma_start3A_57 = arith.constant 0 : i32
    %dma_start3A_58 = arith.constant 0 : i32
    %dma_start3A_59 = arith.constant 0 : i32
    %dma_start3A_60 = arith.constant 0 : i32
    %dma_start3A_61 = tpu.memref_slice %arg4[%dma_start3A_57, %dma_start3A_59, %dma_start3A_60] : memref<2x128x128xf32, #tpu.memory_space<vmem>> -> memref<1x128x128xf32, #tpu.memory_space<vmem>>
    %dma_start3A_62 = tpu.memref_squeeze %dma_start3A_61 : memref<1x128x128xf32, #tpu.memory_space<vmem>> -> memref<128x128xf32, #tpu.memory_space<vmem>>
    %dma_start3A_63 = arith.constant 0 : i32
    %dma_start3A_64 = tpu.memref_slice %arg3[%add3A_56, %dma_start3A_63] : memref<16384x128xf32, #tpu.memory_space<hbm>> -> memref<128x128xf32, #tpu.memory_space<hbm>>
    %dma_start3A_65 = tpu.memref_slice %arg6[%dma_start3A_58] : memref<2x!tpu.dma_semaphore, #tpu.memory_space<semaphore_mem>> -> memref<1x!tpu.dma_semaphore, #tpu.memory_space<semaphore_mem>>
    %dma_start3A_66 = tpu.memref_squeeze %dma_start3A_65 : memref<1x!tpu.dma_semaphore, #tpu.memory_space<semaphore_mem>> -> memref<!tpu.dma_semaphore, #tpu.memory_space<semaphore_mem>>
    %dma_start3A_67 = arith.constant 0 : i32
    %dma_start3A_68 = tpu.memref_slice %arg3[%add3A_56, %dma_start3A_67] : memref<16384x128xf32, #tpu.memory_space<hbm>> -> memref<128x128xf32, #tpu.memory_space<hbm>>
    %dma_start3A_69 = arith.constant 0 : i32
    %dma_start3A_70 = arith.constant 0 : i32
    %dma_start3A_71 = tpu.memref_slice %arg4[%dma_start3A_57, %dma_start3A_69, %dma_start3A_70] : memref<2x128x128xf32, #tpu.memory_space<vmem>> -> memref<1x128x128xf32, #tpu.memory_space<vmem>>
    %dma_start3A_72 = tpu.memref_squeeze %dma_start3A_71 : memref<1x128x128xf32, #tpu.memory_space<vmem>> -> memref<128x128xf32, #tpu.memory_space<vmem>>
    tpu.enqueue_dma source(%dma_start3A_72 : memref<128x128xf32, #tpu.memory_space<vmem>>) target(%dma_start3A_68 : memref<128x128xf32, #tpu.memory_space<hbm>>) target_semaphore(%dma_start3A_66 : memref<!tpu.dma_semaphore, #tpu.memory_space<semaphore_mem>>)
    %add3A_73 = arith.constant 0 : i32
    %add3A_74 = arith.addi %mul3A_2, %add3A_73 : i32
    %dma_wait3A_75 = arith.constant 0 : i32
    %dma_wait3A_76 = arith.constant 0 : i32
    %dma_wait3A_77 = arith.constant 0 : i32
    %dma_wait3A_78 = arith.constant 0 : i32
    %dma_wait3A_79 = tpu.memref_slice %arg4[%dma_wait3A_75, %dma_wait3A_77, %dma_wait3A_78] : memref<2x128x128xf32, #tpu.memory_space<vmem>> -> memref<1x128x128xf32, #tpu.memory_space<vmem>>
    %dma_wait3A_80 = tpu.memref_squeeze %dma_wait3A_79 : memref<1x128x128xf32, #tpu.memory_space<vmem>> -> memref<128x128xf32, #tpu.memory_space<vmem>>
    %dma_wait3A_81 = arith.constant 0 : i32
    %dma_wait3A_82 = tpu.memref_slice %arg3[%add3A_74, %dma_wait3A_81] : memref<16384x128xf32, #tpu.memory_space<hbm>> -> memref<128x128xf32, #tpu.memory_space<hbm>>
    %dma_wait3A_83 = tpu.memref_slice %arg6[%dma_wait3A_76] : memref<2x!tpu.dma_semaphore, #tpu.memory_space<semaphore_mem>> -> memref<1x!tpu.dma_semaphore, #tpu.memory_space<semaphore_mem>>
    %dma_wait3A_84 = tpu.memref_squeeze %dma_wait3A_83 : memref<1x!tpu.dma_semaphore, #tpu.memory_space<semaphore_mem>> -> memref<!tpu.dma_semaphore, #tpu.memory_space<semaphore_mem>>
    %dma_wait3A_85 = arith.constant 0 : i32
    %dma_wait3A_86 = tpu.memref_slice %arg3[%add3A_74, %dma_wait3A_85] : memref<16384x128xf32, #tpu.memory_space<hbm>> -> memref<128x128xf32, #tpu.memory_space<hbm>>
    %dma_wait3A_87 = arith.constant 0 : i32
    %dma_wait3A_88 = arith.constant 0 : i32
    %dma_wait3A_89 = tpu.memref_slice %arg4[%dma_wait3A_75, %dma_wait3A_87, %dma_wait3A_88] : memref<2x128x128xf32, #tpu.memory_space<vmem>> -> memref<1x128x128xf32, #tpu.memory_space<vmem>>
    %dma_wait3A_90 = tpu.memref_squeeze %dma_wait3A_89 : memref<1x128x128xf32, #tpu.memory_space<vmem>> -> memref<128x128xf32, #tpu.memory_space<vmem>>
    tpu.wait_dma2 semaphore(%dma_wait3A_84 : memref<!tpu.dma_semaphore, #tpu.memory_space<semaphore_mem>>) src(%dma_wait3A_90 : memref<128x128xf32, #tpu.memory_space<vmem>>) dst(%dma_wait3A_86 : memref<128x128xf32, #tpu.memory_space<hbm>>)
    %add3A_91 = arith.constant 256 : i32
    %add3A_92 = arith.addi %mul3A_2, %add3A_91 : i32
    %dma_start3A_93 = arith.constant 0 : i32
    %dma_start3A_94 = arith.constant 0 : i32
    %dma_start3A_95 = arith.constant 0 : i32
    %dma_start3A_96 = arith.constant 0 : i32
    %dma_start3A_97 = tpu.memref_slice %arg4[%dma_start3A_93, %dma_start3A_95, %dma_start3A_96] : memref<2x128x128xf32, #tpu.memory_space<vmem>> -> memref<1x128x128xf32, #tpu.memory_space<vmem>>
    %dma_start3A_98 = tpu.memref_squeeze %dma_start3A_97 : memref<1x128x128xf32, #tpu.memory_space<vmem>> -> memref<128x128xf32, #tpu.memory_space<vmem>>
    %dma_start3A_99 = arith.constant 0 : i32
    %dma_start3A_100 = tpu.memref_slice %arg2[%add3A_92, %dma_start3A_99] : memref<100000x128xf32, #tpu.memory_space<hbm>> -> memref<128x128xf32, #tpu.memory_space<hbm>>
    %dma_start3A_101 = tpu.memref_slice %arg5[%dma_start3A_94] : memref<2x!tpu.dma_semaphore, #tpu.memory_space<semaphore_mem>> -> memref<1x!tpu.dma_semaphore, #tpu.memory_space<semaphore_mem>>
    %dma_start3A_102 = tpu.memref_squeeze %dma_start3A_101 : memref<1x!tpu.dma_semaphore, #tpu.memory_space<semaphore_mem>> -> memref<!tpu.dma_semaphore, #tpu.memory_space<semaphore_mem>>
    %dma_start3A_103 = arith.constant 0 : i32
    %dma_start3A_104 = arith.constant 0 : i32
    %dma_start3A_105 = tpu.memref_slice %arg4[%dma_start3A_93, %dma_start3A_103, %dma_start3A_104] : memref<2x128x128xf32, #tpu.memory_space<vmem>> -> memref<1x128x128xf32, #tpu.memory_space<vmem>>
    %dma_start3A_106 = tpu.memref_squeeze %dma_start3A_105 : memref<1x128x128xf32, #tpu.memory_space<vmem>> -> memref<128x128xf32, #tpu.memory_space<vmem>>
    %dma_start3A_107 = arith.constant 0 : i32
    %dma_start3A_108 = tpu.memref_slice %arg2[%add3A_92, %dma_start3A_107] : memref<100000x128xf32, #tpu.memory_space<hbm>> -> memref<128x128xf32, #tpu.memory_space<hbm>>
    tpu.enqueue_dma source(%dma_start3A_108 : memref<128x128xf32, #tpu.memory_space<hbm>>) target(%dma_start3A_106 : memref<128x128xf32, #tpu.memory_space<vmem>>) target_semaphore(%dma_start3A_102 : memref<!tpu.dma_semaphore, #tpu.memory_space<semaphore_mem>>)
    %add3A_109 = arith.constant 128 : i32
    %add3A_110 = arith.addi %mul3A_2, %add3A_109 : i32
    %dma_wait3A_111 = arith.constant 1 : i32
    %dma_wait3A_112 = arith.constant 1 : i32
    %dma_wait3A_113 = arith.constant 0 : i32
    %dma_wait3A_114 = arith.constant 0 : i32
    %dma_wait3A_115 = tpu.memref_slice %arg4[%dma_wait3A_111, %dma_wait3A_113, %dma_wait3A_114] : memref<2x128x128xf32, #tpu.memory_space<vmem>> -> memref<1x128x128xf32, #tpu.memory_space<vmem>>
    %dma_wait3A_116 = tpu.memref_squeeze %dma_wait3A_115 : memref<1x128x128xf32, #tpu.memory_space<vmem>> -> memref<128x128xf32, #tpu.memory_space<vmem>>
    %dma_wait3A_117 = arith.constant 0 : i32
    %dma_wait3A_118 = tpu.memref_slice %arg2[%add3A_110, %dma_wait3A_117] : memref<100000x128xf32, #tpu.memory_space<hbm>> -> memref<128x128xf32, #tpu.memory_space<hbm>>
    %dma_wait3A_119 = tpu.memref_slice %arg5[%dma_wait3A_112] : memref<2x!tpu.dma_semaphore, #tpu.memory_space<semaphore_mem>> -> memref<1x!tpu.dma_semaphore, #tpu.memory_space<semaphore_mem>>
    %dma_wait3A_120 = tpu.memref_squeeze %dma_wait3A_119 : memref<1x!tpu.dma_semaphore, #tpu.memory_space<semaphore_mem>> -> memref<!tpu.dma_semaphore, #tpu.memory_space<semaphore_mem>>
    %dma_wait3A_121 = arith.constant 0 : i32
    %dma_wait3A_122 = arith.constant 0 : i32
    %dma_wait3A_123 = tpu.memref_slice %arg4[%dma_wait3A_111, %dma_wait3A_121, %dma_wait3A_122] : memref<2x128x128xf32, #tpu.memory_space<vmem>> -> memref<1x128x128xf32, #tpu.memory_space<vmem>>
    %dma_wait3A_124 = tpu.memref_squeeze %dma_wait3A_123 : memref<1x128x128xf32, #tpu.memory_space<vmem>> -> memref<128x128xf32, #tpu.memory_space<vmem>>
    %dma_wait3A_125 = arith.constant 0 : i32
    %dma_wait3A_126 = tpu.memref_slice %arg2[%add3A_110, %dma_wait3A_125] : memref<100000x128xf32, #tpu.memory_space<hbm>> -> memref<128x128xf32, #tpu.memory_space<hbm>>
    tpu.wait_dma2 semaphore(%dma_wait3A_120 : memref<!tpu.dma_semaphore, #tpu.memory_space<semaphore_mem>>) src(%dma_wait3A_126 : memref<128x128xf32, #tpu.memory_space<hbm>>) dst(%dma_wait3A_124 : memref<128x128xf32, #tpu.memory_space<vmem>>)
    %add3A_127 = arith.constant 128 : i32
    %add3A_128 = arith.addi %mul3A_2, %add3A_127 : i32
    %dma_start3A_129 = arith.constant 1 : i32
    %dma_start3A_130 = arith.constant 1 : i32
    %dma_start3A_131 = arith.constant 0 : i32
    %dma_start3A_132 = arith.constant 0 : i32
    %dma_start3A_133 = tpu.memref_slice %arg4[%dma_start3A_129, %dma_start3A_131, %dma_start3A_132] : memref<2x128x128xf32, #tpu.memory_space<vmem>> -> memref<1x128x128xf32, #tpu.memory_space<vmem>>
    %dma_start3A_134 = tpu.memref_squeeze %dma_start3A_133 : memref<1x128x128xf32, #tpu.memory_space<vmem>> -> memref<128x128xf32, #tpu.memory_space<vmem>>
    %dma_start3A_135 = arith.constant 0 : i32
    %dma_start3A_136 = tpu.memref_slice %arg3[%add3A_128, %dma_start3A_135] : memref<16384x128xf32, #tpu.memory_space<hbm>> -> memref<128x128xf32, #tpu.memory_space<hbm>>
    %dma_start3A_137 = tpu.memref_slice %arg6[%dma_start3A_130] : memref<2x!tpu.dma_semaphore, #tpu.memory_space<semaphore_mem>> -> memref<1x!tpu.dma_semaphore, #tpu.memory_space<semaphore_mem>>
    %dma_start3A_138 = tpu.memref_squeeze %dma_start3A_137 : memref<1x!tpu.dma_semaphore, #tpu.memory_space<semaphore_mem>> -> memref<!tpu.dma_semaphore, #tpu.memory_space<semaphore_mem>>
    %dma_start3A_139 = arith.constant 0 : i32
    %dma_start3A_140 = tpu.memref_slice %arg3[%add3A_128, %dma_start3A_139] : memref<16384x128xf32, #tpu.memory_space<hbm>> -> memref<128x128xf32, #tpu.memory_space<hbm>>
    %dma_start3A_141 = arith.constant 0 : i32
    %dma_start3A_142 = arith.constant 0 : i32
    %dma_start3A_143 = tpu.memref_slice %arg4[%dma_start3A_129, %dma_start3A_141, %dma_start3A_142] : memref<2x128x128xf32, #tpu.memory_space<vmem>> -> memref<1x128x128xf32, #tpu.memory_space<vmem>>
    %dma_start3A_144 = tpu.memref_squeeze %dma_start3A_143 : memref<1x128x128xf32, #tpu.memory_space<vmem>> -> memref<128x128xf32, #tpu.memory_space<vmem>>
    tpu.enqueue_dma source(%dma_start3A_144 : memref<128x128xf32, #tpu.memory_space<vmem>>) target(%dma_start3A_140 : memref<128x128xf32, #tpu.memory_space<hbm>>) target_semaphore(%dma_start3A_138 : memref<!tpu.dma_semaphore, #tpu.memory_space<semaphore_mem>>)
    %add3A_145 = arith.constant 128 : i32
    %add3A_146 = arith.addi %mul3A_2, %add3A_145 : i32
    %dma_wait3A_147 = arith.constant 1 : i32
    %dma_wait3A_148 = arith.constant 1 : i32
    %dma_wait3A_149 = arith.constant 0 : i32
    %dma_wait3A_150 = arith.constant 0 : i32
    %dma_wait3A_151 = tpu.memref_slice %arg4[%dma_wait3A_147, %dma_wait3A_149, %dma_wait3A_150] : memref<2x128x128xf32, #tpu.memory_space<vmem>> -> memref<1x128x128xf32, #tpu.memory_space<vmem>>
    %dma_wait3A_152 = tpu.memref_squeeze %dma_wait3A_151 : memref<1x128x128xf32, #tpu.memory_space<vmem>> -> memref<128x128xf32, #tpu.memory_space<vmem>>
    %dma_wait3A_153 = arith.constant 0 : i32
    %dma_wait3A_154 = tpu.memref_slice %arg3[%add3A_146, %dma_wait3A_153] : memref<16384x128xf32, #tpu.memory_space<hbm>> -> memref<128x128xf32, #tpu.memory_space<hbm>>
    %dma_wait3A_155 = tpu.memref_slice %arg6[%dma_wait3A_148] : memref<2x!tpu.dma_semaphore, #tpu.memory_space<semaphore_mem>> -> memref<1x!tpu.dma_semaphore, #tpu.memory_space<semaphore_mem>>
    %dma_wait3A_156 = tpu.memref_squeeze %dma_wait3A_155 : memref<1x!tpu.dma_semaphore, #tpu.memory_space<semaphore_mem>> -> memref<!tpu.dma_semaphore, #tpu.memory_space<semaphore_mem>>
    %dma_wait3A_157 = arith.constant 0 : i32
    %dma_wait3A_158 = tpu.memref_slice %arg3[%add3A_146, %dma_wait3A_157] : memref<16384x128xf32, #tpu.memory_space<hbm>> -> memref<128x128xf32, #tpu.memory_space<hbm>>
    %dma_wait3A_159 = arith.constant 0 : i32
    %dma_wait3A_160 = arith.constant 0 : i32
    %dma_wait3A_161 = tpu.memref_slice %arg4[%dma_wait3A_147, %dma_wait3A_159, %dma_wait3A_160] : memref<2x128x128xf32, #tpu.memory_space<vmem>> -> memref<1x128x128xf32, #tpu.memory_space<vmem>>
    %dma_wait3A_162 = tpu.memref_squeeze %dma_wait3A_161 : memref<1x128x128xf32, #tpu.memory_space<vmem>> -> memref<128x128xf32, #tpu.memory_space<vmem>>
    tpu.wait_dma2 semaphore(%dma_wait3A_156 : memref<!tpu.dma_semaphore, #tpu.memory_space<semaphore_mem>>) src(%dma_wait3A_162 : memref<128x128xf32, #tpu.memory_space<vmem>>) dst(%dma_wait3A_158 : memref<128x128xf32, #tpu.memory_space<hbm>>)
    %add3A_163 = arith.constant 384 : i32
    %add3A_164 = arith.addi %mul3A_2, %add3A_163 : i32
    %dma_start3A_165 = arith.constant 1 : i32
    %dma_start3A_166 = arith.constant 1 : i32
    %dma_start3A_167 = arith.constant 0 : i32
    %dma_start3A_168 = arith.constant 0 : i32
    %dma_start3A_169 = tpu.memref_slice %arg4[%dma_start3A_165, %dma_start3A_167, %dma_start3A_168] : memref<2x128x128xf32, #tpu.memory_space<vmem>> -> memref<1x128x128xf32, #tpu.memory_space<vmem>>
    %dma_start3A_170 = tpu.memref_squeeze %dma_start3A_169 : memref<1x128x128xf32, #tpu.memory_space<vmem>> -> memref<128x128xf32, #tpu.memory_space<vmem>>
    %dma_start3A_171 = arith.constant 0 : i32
    %dma_start3A_172 = tpu.memref_slice %arg2[%add3A_164, %dma_start3A_171] : memref<100000x128xf32, #tpu.memory_space<hbm>> -> memref<128x128xf32, #tpu.memory_space<hbm>>
    %dma_start3A_173 = tpu.memref_slice %arg5[%dma_start3A_166] : memref<2x!tpu.dma_semaphore, #tpu.memory_space<semaphore_mem>> -> memref<1x!tpu.dma_semaphore, #tpu.memory_space<semaphore_mem>>
    %dma_start3A_174 = tpu.memref_squeeze %dma_start3A_173 : memref<1x!tpu.dma_semaphore, #tpu.memory_space<semaphore_mem>> -> memref<!tpu.dma_semaphore, #tpu.memory_space<semaphore_mem>>
    %dma_start3A_175 = arith.constant 0 : i32
    %dma_start3A_176 = arith.constant 0 : i32
    %dma_start3A_177 = tpu.memref_slice %arg4[%dma_start3A_165, %dma_start3A_175, %dma_start3A_176] : memref<2x128x128xf32, #tpu.memory_space<vmem>> -> memref<1x128x128xf32, #tpu.memory_space<vmem>>
    %dma_start3A_178 = tpu.memref_squeeze %dma_start3A_177 : memref<1x128x128xf32, #tpu.memory_space<vmem>> -> memref<128x128xf32, #tpu.memory_space<vmem>>
    %dma_start3A_179 = arith.constant 0 : i32
    %dma_start3A_180 = tpu.memref_slice %arg2[%add3A_164, %dma_start3A_179] : memref<100000x128xf32, #tpu.memory_space<hbm>> -> memref<128x128xf32, #tpu.memory_space<hbm>>
    tpu.enqueue_dma source(%dma_start3A_180 : memref<128x128xf32, #tpu.memory_space<hbm>>) target(%dma_start3A_178 : memref<128x128xf32, #tpu.memory_space<vmem>>) target_semaphore(%dma_start3A_174 : memref<!tpu.dma_semaphore, #tpu.memory_space<semaphore_mem>>)
    %add3A_181 = arith.constant 256 : i32
    %add3A_182 = arith.addi %mul3A_2, %add3A_181 : i32
    %dma_wait3A_183 = arith.constant 0 : i32
    %dma_wait3A_184 = arith.constant 0 : i32
    %dma_wait3A_185 = arith.constant 0 : i32
    %dma_wait3A_186 = arith.constant 0 : i32
    %dma_wait3A_187 = tpu.memref_slice %arg4[%dma_wait3A_183, %dma_wait3A_185, %dma_wait3A_186] : memref<2x128x128xf32, #tpu.memory_space<vmem>> -> memref<1x128x128xf32, #tpu.memory_space<vmem>>
    %dma_wait3A_188 = tpu.memref_squeeze %dma_wait3A_187 : memref<1x128x128xf32, #tpu.memory_space<vmem>> -> memref<128x128xf32, #tpu.memory_space<vmem>>
    %dma_wait3A_189 = arith.constant 0 : i32
    %dma_wait3A_190 = tpu.memref_slice %arg2[%add3A_182, %dma_wait3A_189] : memref<100000x128xf32, #tpu.memory_space<hbm>> -> memref<128x128xf32, #tpu.memory_space<hbm>>
    %dma_wait3A_191 = tpu.memref_slice %arg5[%dma_wait3A_184] : memref<2x!tpu.dma_semaphore, #tpu.memory_space<semaphore_mem>> -> memref<1x!tpu.dma_semaphore, #tpu.memory_space<semaphore_mem>>
    %dma_wait3A_192 = tpu.memref_squeeze %dma_wait3A_191 : memref<1x!tpu.dma_semaphore, #tpu.memory_space<semaphore_mem>> -> memref<!tpu.dma_semaphore, #tpu.memory_space<semaphore_mem>>
    %dma_wait3A_193 = arith.constant 0 : i32
    %dma_wait3A_194 = arith.constant 0 : i32
    %dma_wait3A_195 = tpu.memref_slice %arg4[%dma_wait3A_183, %dma_wait3A_193, %dma_wait3A_194] : memref<2x128x128xf32, #tpu.memory_space<vmem>> -> memref<1x128x128xf32, #tpu.memory_space<vmem>>
    %dma_wait3A_196 = tpu.memref_squeeze %dma_wait3A_195 : memref<1x128x128xf32, #tpu.memory_space<vmem>> -> memref<128x128xf32, #tpu.memory_space<vmem>>
    %dma_wait3A_197 = arith.constant 0 : i32
    %dma_wait3A_198 = tpu.memref_slice %arg2[%add3A_182, %dma_wait3A_197] : memref<100000x128xf32, #tpu.memory_space<hbm>> -> memref<128x128xf32, #tpu.memory_space<hbm>>
    tpu.wait_dma2 semaphore(%dma_wait3A_192 : memref<!tpu.dma_semaphore, #tpu.memory_space<semaphore_mem>>) src(%dma_wait3A_198 : memref<128x128xf32, #tpu.memory_space<hbm>>) dst(%dma_wait3A_196 : memref<128x128xf32, #tpu.memory_space<vmem>>)
    %add3A_199 = arith.constant 256 : i32
    %add3A_200 = arith.addi %mul3A_2, %add3A_199 : i32
    %dma_start3A_201 = arith.constant 0 : i32
    %dma_start3A_202 = arith.constant 0 : i32
    %dma_start3A_203 = arith.constant 0 : i32
    %dma_start3A_204 = arith.constant 0 : i32
    %dma_start3A_205 = tpu.memref_slice %arg4[%dma_start3A_201, %dma_start3A_203, %dma_start3A_204] : memref<2x128x128xf32, #tpu.memory_space<vmem>> -> memref<1x128x128xf32, #tpu.memory_space<vmem>>
    %dma_start3A_206 = tpu.memref_squeeze %dma_start3A_205 : memref<1x128x128xf32, #tpu.memory_space<vmem>> -> memref<128x128xf32, #tpu.memory_space<vmem>>
    %dma_start3A_207 = arith.constant 0 : i32
    %dma_start3A_208 = tpu.memref_slice %arg3[%add3A_200, %dma_start3A_207] : memref<16384x128xf32, #tpu.memory_space<hbm>> -> memref<128x128xf32, #tpu.memory_space<hbm>>
    %dma_start3A_209 = tpu.memref_slice %arg6[%dma_start3A_202] : memref<2x!tpu.dma_semaphore, #tpu.memory_space<semaphore_mem>> -> memref<1x!tpu.dma_semaphore, #tpu.memory_space<semaphore_mem>>
    %dma_start3A_210 = tpu.memref_squeeze %dma_start3A_209 : memref<1x!tpu.dma_semaphore, #tpu.memory_space<semaphore_mem>> -> memref<!tpu.dma_semaphore, #tpu.memory_space<semaphore_mem>>
    %dma_start3A_211 = arith.constant 0 : i32
    %dma_start3A_212 = tpu.memref_slice %arg3[%add3A_200, %dma_start3A_211] : memref<16384x128xf32, #tpu.memory_space<hbm>> -> memref<128x128xf32, #tpu.memory_space<hbm>>
    %dma_start3A_213 = arith.constant 0 : i32
    %dma_start3A_214 = arith.constant 0 : i32
    %dma_start3A_215 = tpu.memref_slice %arg4[%dma_start3A_201, %dma_start3A_213, %dma_start3A_214] : memref<2x128x128xf32, #tpu.memory_space<vmem>> -> memref<1x128x128xf32, #tpu.memory_space<vmem>>
    %dma_start3A_216 = tpu.memref_squeeze %dma_start3A_215 : memref<1x128x128xf32, #tpu.memory_space<vmem>> -> memref<128x128xf32, #tpu.memory_space<vmem>>
    tpu.enqueue_dma source(%dma_start3A_216 : memref<128x128xf32, #tpu.memory_space<vmem>>) target(%dma_start3A_212 : memref<128x128xf32, #tpu.memory_space<hbm>>) target_semaphore(%dma_start3A_210 : memref<!tpu.dma_semaphore, #tpu.memory_space<semaphore_mem>>)
    %add3A_217 = arith.constant 384 : i32
    %add3A_218 = arith.addi %mul3A_2, %add3A_217 : i32
    %dma_wait3A_219 = arith.constant 1 : i32
    %dma_wait3A_220 = arith.constant 1 : i32
    %dma_wait3A_221 = arith.constant 0 : i32
    %dma_wait3A_222 = arith.constant 0 : i32
    %dma_wait3A_223 = tpu.memref_slice %arg4[%dma_wait3A_219, %dma_wait3A_221, %dma_wait3A_222] : memref<2x128x128xf32, #tpu.memory_space<vmem>> -> memref<1x128x128xf32, #tpu.memory_space<vmem>>
    %dma_wait3A_224 = tpu.memref_squeeze %dma_wait3A_223 : memref<1x128x128xf32, #tpu.memory_space<vmem>> -> memref<128x128xf32, #tpu.memory_space<vmem>>
    %dma_wait3A_225 = arith.constant 0 : i32
    %dma_wait3A_226 = tpu.memref_slice %arg2[%add3A_218, %dma_wait3A_225] : memref<100000x128xf32, #tpu.memory_space<hbm>> -> memref<128x128xf32, #tpu.memory_space<hbm>>
    %dma_wait3A_227 = tpu.memref_slice %arg5[%dma_wait3A_220] : memref<2x!tpu.dma_semaphore, #tpu.memory_space<semaphore_mem>> -> memref<1x!tpu.dma_semaphore, #tpu.memory_space<semaphore_mem>>
    %dma_wait3A_228 = tpu.memref_squeeze %dma_wait3A_227 : memref<1x!tpu.dma_semaphore, #tpu.memory_space<semaphore_mem>> -> memref<!tpu.dma_semaphore, #tpu.memory_space<semaphore_mem>>
    %dma_wait3A_229 = arith.constant 0 : i32
    %dma_wait3A_230 = arith.constant 0 : i32
    %dma_wait3A_231 = tpu.memref_slice %arg4[%dma_wait3A_219, %dma_wait3A_229, %dma_wait3A_230] : memref<2x128x128xf32, #tpu.memory_space<vmem>> -> memref<1x128x128xf32, #tpu.memory_space<vmem>>
    %dma_wait3A_232 = tpu.memref_squeeze %dma_wait3A_231 : memref<1x128x128xf32, #tpu.memory_space<vmem>> -> memref<128x128xf32, #tpu.memory_space<vmem>>
    %dma_wait3A_233 = arith.constant 0 : i32
    %dma_wait3A_234 = tpu.memref_slice %arg2[%add3A_218, %dma_wait3A_233] : memref<100000x128xf32, #tpu.memory_space<hbm>> -> memref<128x128xf32, #tpu.memory_space<hbm>>
    tpu.wait_dma2 semaphore(%dma_wait3A_228 : memref<!tpu.dma_semaphore, #tpu.memory_space<semaphore_mem>>) src(%dma_wait3A_234 : memref<128x128xf32, #tpu.memory_space<hbm>>) dst(%dma_wait3A_232 : memref<128x128xf32, #tpu.memory_space<vmem>>)
    %add3A_235 = arith.constant 384 : i32
    %add3A_236 = arith.addi %mul3A_2, %add3A_235 : i32
    %dma_start3A_237 = arith.constant 1 : i32
    %dma_start3A_238 = arith.constant 1 : i32
    %dma_start3A_239 = arith.constant 0 : i32
    %dma_start3A_240 = arith.constant 0 : i32
    %dma_start3A_241 = tpu.memref_slice %arg4[%dma_start3A_237, %dma_start3A_239, %dma_start3A_240] : memref<2x128x128xf32, #tpu.memory_space<vmem>> -> memref<1x128x128xf32, #tpu.memory_space<vmem>>
    %dma_start3A_242 = tpu.memref_squeeze %dma_start3A_241 : memref<1x128x128xf32, #tpu.memory_space<vmem>> -> memref<128x128xf32, #tpu.memory_space<vmem>>
    %dma_start3A_243 = arith.constant 0 : i32
    %dma_start3A_244 = tpu.memref_slice %arg3[%add3A_236, %dma_start3A_243] : memref<16384x128xf32, #tpu.memory_space<hbm>> -> memref<128x128xf32, #tpu.memory_space<hbm>>
    %dma_start3A_245 = tpu.memref_slice %arg6[%dma_start3A_238] : memref<2x!tpu.dma_semaphore, #tpu.memory_space<semaphore_mem>> -> memref<1x!tpu.dma_semaphore, #tpu.memory_space<semaphore_mem>>
    %dma_start3A_246 = tpu.memref_squeeze %dma_start3A_245 : memref<1x!tpu.dma_semaphore, #tpu.memory_space<semaphore_mem>> -> memref<!tpu.dma_semaphore, #tpu.memory_space<semaphore_mem>>
    %dma_start3A_247 = arith.constant 0 : i32
    %dma_start3A_248 = tpu.memref_slice %arg3[%add3A_236, %dma_start3A_247] : memref<16384x128xf32, #tpu.memory_space<hbm>> -> memref<128x128xf32, #tpu.memory_space<hbm>>
    %dma_start3A_249 = arith.constant 0 : i32
    %dma_start3A_250 = arith.constant 0 : i32
    %dma_start3A_251 = tpu.memref_slice %arg4[%dma_start3A_237, %dma_start3A_249, %dma_start3A_250] : memref<2x128x128xf32, #tpu.memory_space<vmem>> -> memref<1x128x128xf32, #tpu.memory_space<vmem>>
    %dma_start3A_252 = tpu.memref_squeeze %dma_start3A_251 : memref<1x128x128xf32, #tpu.memory_space<vmem>> -> memref<128x128xf32, #tpu.memory_space<vmem>>
    tpu.enqueue_dma source(%dma_start3A_252 : memref<128x128xf32, #tpu.memory_space<vmem>>) target(%dma_start3A_248 : memref<128x128xf32, #tpu.memory_space<hbm>>) target_semaphore(%dma_start3A_246 : memref<!tpu.dma_semaphore, #tpu.memory_space<semaphore_mem>>)
    %add3A_253 = arith.constant 256 : i32
    %add3A_254 = arith.addi %mul3A_2, %add3A_253 : i32
    %dma_wait3A_255 = arith.constant 0 : i32
    %dma_wait3A_256 = arith.constant 0 : i32
    %dma_wait3A_257 = arith.constant 0 : i32
    %dma_wait3A_258 = arith.constant 0 : i32
    %dma_wait3A_259 = tpu.memref_slice %arg4[%dma_wait3A_255, %dma_wait3A_257, %dma_wait3A_258] : memref<2x128x128xf32, #tpu.memory_space<vmem>> -> memref<1x128x128xf32, #tpu.memory_space<vmem>>
    %dma_wait3A_260 = tpu.memref_squeeze %dma_wait3A_259 : memref<1x128x128xf32, #tpu.memory_space<vmem>> -> memref<128x128xf32, #tpu.memory_space<vmem>>
    %dma_wait3A_261 = arith.constant 0 : i32
    %dma_wait3A_262 = tpu.memref_slice %arg3[%add3A_254, %dma_wait3A_261] : memref<16384x128xf32, #tpu.memory_space<hbm>> -> memref<128x128xf32, #tpu.memory_space<hbm>>
    %dma_wait3A_263 = tpu.memref_slice %arg6[%dma_wait3A_256] : memref<2x!tpu.dma_semaphore, #tpu.memory_space<semaphore_mem>> -> memref<1x!tpu.dma_semaphore, #tpu.memory_space<semaphore_mem>>
    %dma_wait3A_264 = tpu.memref_squeeze %dma_wait3A_263 : memref<1x!tpu.dma_semaphore, #tpu.memory_space<semaphore_mem>> -> memref<!tpu.dma_semaphore, #tpu.memory_space<semaphore_mem>>
    %dma_wait3A_265 = arith.constant 0 : i32
    %dma_wait3A_266 = tpu.memref_slice %arg3[%add3A_254, %dma_wait3A_265] : memref<16384x128xf32, #tpu.memory_space<hbm>> -> memref<128x128xf32, #tpu.memory_space<hbm>>
    %dma_wait3A_267 = arith.constant 0 : i32
    %dma_wait3A_268 = arith.constant 0 : i32
    %dma_wait3A_269 = tpu.memref_slice %arg4[%dma_wait3A_255, %dma_wait3A_267, %dma_wait3A_268] : memref<2x128x128xf32, #tpu.memory_space<vmem>> -> memref<1x128x128xf32, #tpu.memory_space<vmem>>
    %dma_wait3A_270 = tpu.memref_squeeze %dma_wait3A_269 : memref<1x128x128xf32, #tpu.memory_space<vmem>> -> memref<128x128xf32, #tpu.memory_space<vmem>>
    tpu.wait_dma2 semaphore(%dma_wait3A_264 : memref<!tpu.dma_semaphore, #tpu.memory_space<semaphore_mem>>) src(%dma_wait3A_270 : memref<128x128xf32, #tpu.memory_space<vmem>>) dst(%dma_wait3A_266 : memref<128x128xf32, #tpu.memory_space<hbm>>)
    %add3A_271 = arith.constant 384 : i32
    %add3A_272 = arith.addi %mul3A_2, %add3A_271 : i32
    %dma_wait3A_273 = arith.constant 1 : i32
    %dma_wait3A_274 = arith.constant 1 : i32
    %dma_wait3A_275 = arith.constant 0 : i32
    %dma_wait3A_276 = arith.constant 0 : i32
    %dma_wait3A_277 = tpu.memref_slice %arg4[%dma_wait3A_273, %dma_wait3A_275, %dma_wait3A_276] : memref<2x128x128xf32, #tpu.memory_space<vmem>> -> memref<1x128x128xf32, #tpu.memory_space<vmem>>
    %dma_wait3A_278 = tpu.memref_squeeze %dma_wait3A_277 : memref<1x128x128xf32, #tpu.memory_space<vmem>> -> memref<128x128xf32, #tpu.memory_space<vmem>>
    %dma_wait3A_279 = arith.constant 0 : i32
    %dma_wait3A_280 = tpu.memref_slice %arg3[%add3A_272, %dma_wait3A_279] : memref<16384x128xf32, #tpu.memory_space<hbm>> -> memref<128x128xf32, #tpu.memory_space<hbm>>
    %dma_wait3A_281 = tpu.memref_slice %arg6[%dma_wait3A_274] : memref<2x!tpu.dma_semaphore, #tpu.memory_space<semaphore_mem>> -> memref<1x!tpu.dma_semaphore, #tpu.memory_space<semaphore_mem>>
    %dma_wait3A_282 = tpu.memref_squeeze %dma_wait3A_281 : memref<1x!tpu.dma_semaphore, #tpu.memory_space<semaphore_mem>> -> memref<!tpu.dma_semaphore, #tpu.memory_space<semaphore_mem>>
    %dma_wait3A_283 = arith.constant 0 : i32
    %dma_wait3A_284 = tpu.memref_slice %arg3[%add3A_272, %dma_wait3A_283] : memref<16384x128xf32, #tpu.memory_space<hbm>> -> memref<128x128xf32, #tpu.memory_space<hbm>>
    %dma_wait3A_285 = arith.constant 0 : i32
    %dma_wait3A_286 = arith.constant 0 : i32
    %dma_wait3A_287 = tpu.memref_slice %arg4[%dma_wait3A_273, %dma_wait3A_285, %dma_wait3A_286] : memref<2x128x128xf32, #tpu.memory_space<vmem>> -> memref<1x128x128xf32, #tpu.memory_space<vmem>>
    %dma_wait3A_288 = tpu.memref_squeeze %dma_wait3A_287 : memref<1x128x128xf32, #tpu.memory_space<vmem>> -> memref<128x128xf32, #tpu.memory_space<vmem>>
    tpu.wait_dma2 semaphore(%dma_wait3A_282 : memref<!tpu.dma_semaphore, #tpu.memory_space<semaphore_mem>>) src(%dma_wait3A_288 : memref<128x128xf32, #tpu.memory_space<vmem>>) dst(%dma_wait3A_284 : memref<128x128xf32, #tpu.memory_space<hbm>>)
    return
  }
}

</mosaic_0001>

<sc_bundles>
// kernel: kernel.3.cloned.1.call-start
scs
__scs_entry_jumppad:
0x0: {  	(pc) =	sbr.rel $0x88, $3  }
0x1: {  	(tag) =	ssettag $0x0;
	lr =	simm.s32 $0x1  }
0x2: {  	[smem:$0x3FA0] =	sst lr;
	_ =	strace $0xD0000000  }
0x3: {  	_ = 	snop  }
0x4: {  	_ = 	snop  }
0x5: {  	_ = 	snop  }
0x6: {  	_ = 	snop  }
0x7: {  	_ = 	snop  }
__scs_overlays_trampoline_lowered:
0x8: {  	[smem:$0x3FAF] =	sst s0  }
0x9: {  	[smem:$0x3FB0] =	sst s1  }
0xa: {  	[smem:$0x3FB1] =	sst s2  }
0xb: {  	[smem:$0x3FB2] =	sst s3  }
0xc: {  	[smem:$0x3FB3] =	sst s4  }
0xd: {  	[smem:$0x3FB4] =	sst s5  }
0xe: {  	[smem:$0x3FB5] =	sst s6  }
0xf: {  	[smem:$0x3FB6] =	sst s7  }
0x10: {  	[smem:$0x3FB7] =	sst s8  }
0x11: {  	[smem:$0x3FB8] =	sst s9;
	s0 =	simm.s32 @!p0 $0x0  }
0x12: {  	s1 =	sld [smem:$0x3F9E];
	s0 =	simm.s32 @p0 $0x1  }
0x13: {  	[smem:$0x3FB9] =	sst s0;
	s0 =	simm.s32 @!p1 $0x0  }
0x14: {  	s2 =	sld [smem:$0x3F9D];
	s0 =	simm.s32 @p1 $0x1  }
0x15: {  	[smem:$0x3FBA] =	sst s0;
	s0 =	simm.s32 @!p2 $0x0  }
0x16: {  	s3 =	sld [smem:$0x3FDB];
	s0 =	simm.s32 @p2 $0x1  }
0x17: {  	s4 =	simm.s32 $0x1BF5;
	[smem:$0x3FBC] =	sst s0  }
0x18: {  	s0 =	sld [smem:$0x3F9F];
	_ =	swait.ge [sflag:s4], $0x0  }
0x19: {  	s7 =	sld [smem:$0x3FA0]  }
0x1a: {  	s8 =	sadd.s32 $0xFFFFE003, lr  }
0x1b: {  	s9 =	sadd.s32 $0xFFFFFEF7, lr;
	s5 =	simm.s32 $0xFFFFFFFF;
	p2 =	slt.u32 s8, $0xFFFFF086  }
0x1c: {  	p1 =	slt.u32 s9, $0xF7A;
	s5 =	simm.s32 @!p2 $0x0  }
0x1d: {  	s5 =	simm.s32 @p1 $0x1;
	p0 =	seq.s32 s7, s2  }
0x1e: {  	s7 =	smul.u32 @!p0 $0xF7A, s2;
	p2 =	seq.s32 @!p0 s5, $0x0  }
0x1f: {  	s9 =	smul.u32 $0xF7A, s1;
	s8 =	simm.s32 @!p0 $0x1BF5;
	p2 =	por !p2, p0  }
0x20: {  	[sflag:s8] =	ssyncset.s32 @!p0 $0xFFFFF086;
	s6 =	sadd.s32 @!p0 s3, s7;
	s7 =	simm.s32 @!p0 $0x108  }
0x21: {  	s3 =	sadd.s32 s3, s9;
	s6 =	sadd.s32 @!p0 $0x88, s6;
	s7 =	simm.s32 @p2 $0x1082  }
0x22: {  	[simem:s7], [sflag:s8] =	dma.local @!p0 [hbm:s6], $0xF7A  }
0x23: {  	s9 =	sor.u32 $0xD0000000, s2;
	s6 =	simm.s32 $0x108;
	_ =	swait.ge @!p0 [sflag:s8], $0x0  }
0x24: {  	s3 =	sadd.s32 $0x88, s3;
	s6 =	simm.s32 @!p1 $0x1082;
	[sflag:s4] =	ssyncset.s32 $0xFFFFF086  }
0x25: {  	[simem:s6], [sflag:s4] =	dma.local [hbm:s3], $0xF7A  }
0x26: {  	[smem:$0x3FA0] =	sst s1;
	(tag) =	ssettag s2;
	_ =	strace s9  }
0x27: {  	s1 =	sld [smem:$0x3FB0]  }
0x28: {  	s2 =	sld [smem:$0x3FB1]  }
0x29: {  	s4 =	sld [smem:$0x3FB3]  }
0x2a: {  	p0 =	seq.s32 s5, $0x0;
	s5 =	sld [smem:$0x3FB4]  }
0x2b: {  	s6 =	sld [smem:$0x3FB5]  }
0x2c: {  	s7 =	sld [smem:$0x3FB6]  }
0x2d: {  	s3 =	simm.s32 $0x108;
	s8 =	sld [smem:$0x3FB7]  }
0x2e: {  	s3 =	simm.s32 @!p0 $0x1082;
	s9 =	sld [smem:$0x3FB8]  }
0x2f: {  	lr =	sadd.s32 s0, s3;
	s0 =	sld [smem:$0x3FAF]  }
0x30: {  	s3 =	sld [smem:$0x3FB2]  }
0x31: {  	[smem:$0x3FBB] =	sst s10  }
0x32: {  	s10 =	sld [smem:$0x3FB9];
	_ =	sdelay $0x3  }
0x33: {  	p0 =	seq.s32 s10, $0x1;
	s10 =	sld [smem:$0x3FBB];
	_ =	sdelay $0x3  }
0x34: {  	[smem:$0x3FBB] =	sst s10  }
0x35: {  	s10 =	sld [smem:$0x3FBA];
	_ =	sdelay $0x3  }
0x36: {  	p1 =	seq.s32 s10, $0x1;
	s10 =	sld [smem:$0x3FBB];
	_ =	sdelay $0x3  }
0x37: {  	[smem:$0x3FBB] =	sst s10  }
0x38: {  	s10 =	sld [smem:$0x3FBC]  }
0x39: {  	_ = 	snop;
	(pc) =	sbr.ind lr, $3  }
0x3a: {  	_ = 	snop  }
0x3b: {  	_ = 	snop  }
0x3c: {  	p2 =	seq.s32 s10, $0x1;
	s10 =	sld [smem:$0x3FBB]  }
0x3d: {  	_ =	shalt  }
0x3e: {  	_ =	shalt  }
0x3f: {  	_ =	shalt  }
0x40: {  	_ =	shalt  }
0x41: {  	_ =	shalt  }
0x42: {  	_ =	shalt  }
0x43: {  	_ =	shalt  }
0x44: {  	_ =	shalt  }
0x45: {  	_ =	shalt  }
0x46: {  	_ =	shalt  }
0x47: {  	_ =	shalt  }
0x48: {  	_ =	shalt  }
0x49: {  	_ =	shalt  }
0x4a: {  	_ =	shalt  }
0x4b: {  	_ =	shalt  }
0x4c: {  	_ =	shalt  }
0x4d: {  	_ =	shalt  }
0x4e: {  	_ =	shalt  }
0x4f: {  	_ =	shalt  }
0x50: {  	_ =	shalt  }
0x51: {  	_ =	shalt  }
0x52: {  	_ =	shalt  }
0x53: {  	_ =	shalt  }
0x54: {  	_ =	shalt  }
0x55: {  	_ =	shalt  }
0x56: {  	_ =	shalt  }
0x57: {  	_ =	shalt  }
0x58: {  	_ =	shalt  }
0x59: {  	_ =	shalt  }
0x5a: {  	_ =	shalt  }
0x5b: {  	_ =	shalt  }
0x5c: {  	_ =	shalt  }
0x5d: {  	_ =	shalt  }
0x5e: {  	_ =	shalt  }
0x5f: {  	_ =	shalt  }
0x60: {  	_ =	shalt  }
0x61: {  	_ =	shalt  }
0x62: {  	_ =	shalt  }
0x63: {  	_ =	shalt  }
0x64: {  	_ =	shalt  }
0x65: {  	_ =	shalt  }
0x66: {  	_ =	shalt  }
0x67: {  	_ =	shalt  }
0x68: {  	_ =	shalt  }
0x69: {  	_ =	shalt  }
0x6a: {  	_ =	shalt  }
0x6b: {  	_ =	shalt  }
0x6c: {  	_ =	shalt  }
0x6d: {  	_ =	shalt  }
0x6e: {  	_ =	shalt  }
0x6f: {  	_ =	shalt  }
0x70: {  	_ =	shalt  }
0x71: {  	_ =	shalt  }
0x72: {  	_ =	shalt  }
0x73: {  	_ =	shalt  }
0x74: {  	_ =	shalt  }
0x75: {  	_ =	shalt  }
0x76: {  	_ =	shalt  }
0x77: {  	_ =	shalt  }
0x78: {  	_ =	shalt  }
0x79: {  	_ =	shalt  }
0x7a: {  	_ =	shalt  }
0x7b: {  	_ =	shalt  }
0x7c: {  	_ =	shalt  }
0x7d: {  	_ =	shalt  }
0x7e: {  	_ =	shalt  }
0x7f: {  	_ =	shalt  }
0x80: {  	_ =	shalt  }
0x81: {  	_ =	shalt  }
0x82: {  	_ =	shalt  }
0x83: {  	_ =	shalt  }
0x84: {  	_ =	shalt  }
0x85: {  	_ =	shalt  }
0x86: {  	_ =	shalt  }
0x87: {  	_ =	shalt  }
.Lfunc_end0:
.L_simem_size_0:
called_computation_lowered:
.L_overlay_start_0:
0x88: {  	s2 =	sld [smem:$0x3FD9]  }
0x89: {  	s3 =	sld [smem:$0x3FFE];
	_ =	sdelay $0x1  }
0x8a: {  	s1 =	srdreg.scid  }
0x8b: {  	s0 =	sand.u32 $0x1, s1  }
0x8c: {  	s18 =	sshll.u32 s0, $0xA;
	s2 =	sadd.s32 s3, s2  }
0x8d: {  	s2 =	sadd.s32 s2, s18  }
0x8e: {  	[smem:$0x3FC7] =	sst s2  }
0x8f: {  	_ = 	snop  }
0x90: {  	s2 =	sld [smem:$0x3FC9]  }
0x91: {  	s19 =	sld [smem:$0x3FD0];
	(tm) =	ssettm $0x1  }
0x92: {  	s4 =	sld [smem:$0x3FFB];
	_ =	sdelay $0x3  }
0x93: {  	_ =	strace s4  }
0x94: {  	s4 =	sld [smem:$0x3FFC];
	_ =	sdelay $0x3  }
0x95: {  	_ =	strace s4  }
0x96: {  	s4 =	sld [smem:$0x3FFD];
	_ =	sdelay $0x3  }
0x97: {  	_ =	strace s4  }
0x98: {  	_ =	strace $0x8FFFFFFF  }
0x99: {  	s20 =	sld [smem:$0x3FDB];
	_ =	sdelay $0x1  }
0x9a: {  	s5 =	simm.s32 $_scs_section_size  }
0x9b: {  	s6 =	simm.s32 $_size__tile_overlayer_lowered;
	s7 =	simm.s32 $_tile_overlayer_lowered  }
0x9c: {  	s23 =	simm.s32 $0x1BFF;
	s22 =	sshll.u32 s7, $0x1;
	s4 =	sadd.s32 s5, s20  }
0x9d: {  	s8 =	simm.s32 $0x0;
	s21 =	sshll.u32 s6, $0x1;
	s6 =	sadd.s32 s22, s4  }
0x9e: {  	[timem:s8], [sflag:s23] =	dma.local [hbm:s6], s21  }
0x9f: {  	_ =	swait.ge [sflag:s23], s21  }
0xa0: {  	s5 =	ssub.s32 $0x0, s21;
	[sflag:s23] =	ssyncset.done $0x0  }
0xa1: {  	[sflag:s23] =	ssyncadd.s32 s5;
	_ =	sdelay $0x1  }
0xa2: {  	s24 =	simm.s32 $0x1B8B  }
0xa3: {  	_ =	swait.ge [sflag:s24], $0x1  }
0xa4: {  	[sflag:s24] =	ssyncset.done $0x0  }
0xa5: {  	s25 =	simm.s32 $0x1B8E;
	[sflag:s24] =	ssyncadd.s32 $0xFFFFFFFF  }
0xa6: {  	s26 =	simm.s32 $execute0_lowered;
	[smem:$0x3FD2] =	sst s25  }
0xa7: {  	s5 =	sshll.u32 s26, $0x1;
	_ =	strace $0x80000046;
	[dreg:$0x1] =	wrdreg $0xFFFFFFFF  }
0xa8: {  	s28 =	simm.s32 $_size_execute0_lowered;
	s4 =	sadd.s32 s4, s5;
	[dreg:$0x0] =	wrdreg $0x0  }
0xa9: {  	s5 =	sshll.u32 s28, $0x1;
	[dreg:$0x2] =	wrdreg s4  }
0xaa: {  	[dreg:$0x3] =	wrdreg s5  }
0xab: {  	[dreg:$0x4] =	wrdreg $0xC0  }
0xac: {  	_ =	task [dreg:s8], $0x5FFFF  }
0xad: {  	[dreg:$0x1] =	wrdreg $0xFFFFFFFF  }
0xae: {  	[dreg:$0x0] =	wrdreg $0x60  }
0xaf: {  	[dreg:$0x2] =	wrdreg s2  }
0xb0: {  	[dreg:$0x3] =	wrdreg s19  }
0xb1: {  	[dreg:$0x4] =	wrdreg $0x9  }
0xb2: {  	_ =	task.clear_ibuf [dreg:s8], $0x5FFFF;
	_ =	strace $0x90000046  }
0xb3: {  	s29 =	simm.s32 $0x9;
	_ =	strace $0x80000048  }
0xb4: {  	_ =	swait.ge [sflag:s29], $0x1  }
0xb5: {  	[sflag:s29] =	ssyncadd.s32 $0xFFFFFFFF  }
0xb6: {  	_ =	strace $0x90000048  }
0xb7: {  	_ =	sfence  }
0xb8: {  	s30 =	sld [smem:$0x0];
	_ =	sdelay $0x2  }
0xb9: {  	s31 =	sshll.u32 s1, $0xD;
	s1 =	sshrl.u32 s1, $0x2  }
0xba: {  	s3 =	sand.u32 $0x4000, s31;
	s1 =	sadd.s32 s1, s30  }
0xbb: {  	s0 =	sor.u32 s3, s0;
	s1 =	sshll.u32 s1, $0x11  }
0xbc: {  	s0 =	sor.u32 s1, s0  }
0xbd: {  	s0 =	sadd.s32 $0x8F2B, s0  }
0xbe: {  	[sflag:s0] =	ssyncadd.remote.s32 $0x1  }
0xbf: {  	_ =	sfence.sel $0xFFFF  }
0xc0: {  	[dreg:$0x0] =	wrdreg $0xFFFFFFFF;
	(pc) =	sbr.abs _section_cstart, $3  }
0xc1: {  	[dreg:$0x1] =	wrdreg $0xFFFFFFFF  }
0xc2: {  	_ =	task.clear_ibuf [dreg:s8], $0x2FFFF;
	_ =	strace $0x9FFFFFFF  }
0xc3: {  	(tm) =	ssettm $0x7FFFFFFF  }
tec
execute0_lowered:
.L_overlay_start_1:
0x0: {  	(tag) =	ssettag $0x1  }
0x1: {  	s13 =	rddreg [dreg:$0x0]  }
0x2: {  	s15 =	rddreg [dreg:$0x1];
	s2 =	srdreg.scid  }
0x3: {  	s0 =	rddreg [dreg:$0x2];
	s1 =	stileid.u32;
	s16 =	sand.u32 $0x1, s2  }
0x4: {  	s2 =	simm.s32 $0x0;
	s3 =	sshll.u32 s1, $0xE;
	s4 =	sshll.u32 s16, $0xD  }
0x5: {  	[smem:$0x7FF] =	sst s2;
	s14 =	sor.u32 s4, s3  }
0x6: {  	_ =	strace $0x80000047;
	s3 =	sadd.s32 s13, s14;
	s11 =	sor.u32 $0x800, s14  }
0x7: {  	[tilespmem:s2], [sflag:$0x1] =	stream.linear.gather [hbm4b:s3+s2], $0x4000, $0x38;
	[tilespmem:$0x8000] =	vst v63  }
0x8: {  	s5 =	simm.s32 $0x4000;
	s6 =	simm.s32 $0x1;
	s4 =	sadd.s32 s13, s11  }
0x9: {  	[tilespmem:s5], [sflag:$0x2] =	stream.linear.gather [hbm4b:s4+s2], $0x4000, $0x38;
	[tilespmem:$0x8000] =	vst v63  }
0xa: {  	_ =	swait.ge [sflag:s6], $0x4000  }
0xb: {  	[sflag:s6] =	ssyncset.done $0x0  }
0xc: {  	s8 =	simm.s32 $0x3;
	s7 =	sadd.s32 s15, s14;
	[sflag:s6] =	ssyncadd.s32 $0xFFFFC000  }
0xd: {  	[hbm4b:s7+s2] =	stream.linear.scatter [tilespmem:s2], [sflag:$0x3], $0x4000, $0x38;
	[tilespmem:$0x8000] =	vst v63  }
0xe: {  	_ =	swait.ge [sflag:s8], $0x4000  }
0xf: {  	s17 =	sor.u32 $0x1000, s14;
	[sflag:s8] =	ssyncset.done $0x0  }
0x10: {  	s10 =	simm.s32 $0x2;
	s9 =	sadd.s32 s13, s17;
	[sflag:s8] =	ssyncadd.s32 $0xFFFFC000  }
0x11: {  	[tilespmem:s2], [sflag:$0x1] =	stream.linear.gather [hbm4b:s9+s2], $0x4000, $0x38;
	[tilespmem:$0x8000] =	vst v63  }
0x12: {  	_ =	swait.ge [sflag:s10], $0x4000  }
0x13: {  	[sflag:s10] =	ssyncset.done $0x0  }
0x14: {  	s12 =	sadd.s32 s15, s11;
	s11 =	simm.s32 $0x4;
	[sflag:s10] =	ssyncadd.s32 $0xFFFFC000  }
0x15: {  	[hbm4b:s12+s2] =	stream.linear.scatter [tilespmem:s5], [sflag:$0x4], $0x4000, $0x38;
	[tilespmem:$0x8000] =	vst v63  }
0x16: {  	_ =	swait.ge [sflag:s11], $0x4000  }
0x17: {  	s18 =	sor.u32 $0x1800, s14;
	[sflag:s11] =	ssyncset.done $0x0  }
0x18: {  	s13 =	sadd.s32 s13, s18;
	[sflag:s11] =	ssyncadd.s32 $0xFFFFC000  }
0x19: {  	[tilespmem:s5], [sflag:$0x2] =	stream.linear.gather [hbm4b:s13+s2], $0x4000, $0x38;
	[tilespmem:$0x8000] =	vst v63  }
0x1a: {  	_ =	swait.ge [sflag:s6], $0x4000  }
0x1b: {  	s16 =	ssub.s32 $0x2, s16;
	[sflag:s6] =	ssyncset.done $0x0  }
0x1c: {  	s31 =	sshrl.u32 s16, $0x1;
	s14 =	sadd.s32 s15, s17;
	[sflag:s6] =	ssyncadd.s32 $0xFFFFC000  }
0x1d: {  	[hbm4b:s14+s2] =	stream.linear.scatter [tilespmem:s2], [sflag:$0x3], $0x4000, $0x38;
	[tilespmem:$0x8000] =	vst v63  }
0x1e: {  	s16 =	ssub.s32 s16, s31;
	_ =	swait.ge [sflag:s10], $0x4000  }
0x1f: {  	s16 =	smax.u32 s16, $0x1;
	[sflag:s10] =	ssyncset.done $0x0  }
0x20: {  	s15 =	sadd.s32 s15, s18;
	p0 =	sne.s32 s16, $0x1;
	[sflag:s10] =	ssyncadd.s32 $0xFFFFC000  }
0x21: {  	[hbm4b:s15+s2] =	stream.linear.scatter [tilespmem:s5], [sflag:$0x4], $0x4000, $0x38;
	[tilespmem:$0x8000] =	vst v63  }
.Ltmp0:
0x22: {  	_ =	swait.ge [sflag:s8], $0x4000;
	(pc) =	sbr.rel @!p0 .LBB2_2-.Ltmp0, $4  }
0x23: {  	[sflag:s8] =	ssyncset.done $0x0  }
0x24: {  	[sflag:s8] =	ssyncadd.s32 $0xFFFFC000  }
0x25: {  	_ =	swait.ge [sflag:s11], $0x4000  }
0x26: {  	s16 =	sadd.s32 $0xFFFFFFFF, s16;
	[sflag:s11] =	ssyncset.done $0x0  }
.LBB2_1:
0x27: {  	p0 =	sne.s32 s16, $0x1;
	s16 =	sadd.s32 $0xFFFFFFFF, s16;
	[sflag:s11] =	ssyncadd.s32 $0xFFFFC000  }
0x28: {  	[tilespmem:s2], [sflag:$0x1] =	stream.linear.gather [hbm4b:s3+s2], $0x4000, $0x38;
	[tilespmem:$0x8000] =	vst v63  }
0x29: {  	_ = 	snop  }
0x2a: {  	[tilespmem:s5], [sflag:$0x2] =	stream.linear.gather [hbm4b:s4+s2], $0x4000, $0x38;
	[tilespmem:$0x8000] =	vst v63  }
0x2b: {  	_ =	swait.ge [sflag:s6], $0x4000  }
0x2c: {  	[sflag:s6] =	ssyncset.done $0x0  }
0x2d: {  	[sflag:s6] =	ssyncadd.s32 $0xFFFFC000  }
0x2e: {  	[hbm4b:s7+s2] =	stream.linear.scatter [tilespmem:s2], [sflag:$0x3], $0x4000, $0x38;
	[tilespmem:$0x8000] =	vst v63  }
0x2f: {  	_ =	swait.ge [sflag:s8], $0x4000  }
0x30: {  	[sflag:s8] =	ssyncset.done $0x0  }
0x31: {  	[sflag:s8] =	ssyncadd.s32 $0xFFFFC000  }
0x32: {  	[tilespmem:s2], [sflag:$0x1] =	stream.linear.gather [hbm4b:s9+s2], $0x4000, $0x38;
	[tilespmem:$0x8000] =	vst v63  }
0x33: {  	_ =	swait.ge [sflag:s10], $0x4000  }
0x34: {  	[sflag:s10] =	ssyncset.done $0x0  }
0x35: {  	[sflag:s10] =	ssyncadd.s32 $0xFFFFC000  }
0x36: {  	[hbm4b:s12+s2] =	stream.linear.scatter [tilespmem:s5], [sflag:$0x4], $0x4000, $0x38;
	[tilespmem:$0x8000] =	vst v63  }
0x37: {  	_ =	swait.ge [sflag:s11], $0x4000  }
0x38: {  	[sflag:s11] =	ssyncset.done $0x0  }
0x39: {  	[sflag:s11] =	ssyncadd.s32 $0xFFFFC000  }
0x3a: {  	[tilespmem:s5], [sflag:$0x2] =	stream.linear.gather [hbm4b:s13+s2], $0x4000, $0x38;
	[tilespmem:$0x8000] =	vst v63  }
0x3b: {  	_ =	swait.ge [sflag:s6], $0x4000  }
0x3c: {  	[sflag:s6] =	ssyncset.done $0x0  }
0x3d: {  	[sflag:s6] =	ssyncadd.s32 $0xFFFFC000  }
0x3e: {  	[hbm4b:s14+s2] =	stream.linear.scatter [tilespmem:s2], [sflag:$0x3], $0x4000, $0x38;
	[tilespmem:$0x8000] =	vst v63  }
0x3f: {  	_ =	swait.ge [sflag:s10], $0x4000  }
0x40: {  	[sflag:s10] =	ssyncset.done $0x0  }
0x41: {  	[sflag:s10] =	ssyncadd.s32 $0xFFFFC000  }
0x42: {  	[hbm4b:s15+s2] =	stream.linear.scatter [tilespmem:s5], [sflag:$0x4], $0x4000, $0x38;
	[tilespmem:$0x8000] =	vst v63  }
.Ltmp1:
0x43: {  	_ =	swait.ge [sflag:s8], $0x4000;
	(pc) =	sbr.rel @p0 .LBB2_1-.Ltmp1, $4  }
0x44: {  	[sflag:s8] =	ssyncset.done $0x0  }
0x45: {  	[sflag:s8] =	ssyncadd.s32 $0xFFFFC000  }
0x46: {  	_ =	swait.ge [sflag:s11], $0x4000  }
0x47: {  	[sflag:s11] =	ssyncset.done $0x0  }
.LBB2_2:
0x48: {  	[sflag:s11] =	ssyncadd.s32 $0xFFFFC000  }
0x49: {  	_ =	sfence.sel $0x180000  }
0x4a: {  	[bflag:$0x0] =	sbarrier.arrive $0xFFFF  }
0x4b: {  	p0 =	sne.s32 s1, $0x0;
	_ =	strace $0x90000047  }
0x4c: {  	s0 =	sadd.s32 @!p0 $0x100000, s0;
	[bflag:$0x2] =	sbarrier.arrive $0xFFFF  }
0x4d: {  	[sflag:s0] =	ssyncadd.tile.s32 @!p0 $0x1;
	_ =	shalt  }
.Lfunc_end2:
_tile_overlayer_lowered:
.L_overlay_start_2:
0x4e: {  	(tag) =	ssettag $0x2  }
0x4f: {  	s0 =	rddreg [dreg:$0x0];
	s2 =	stileid.u32  }
0x50: {  	s1 =	rddreg [dreg:$0x1];
	p0 =	sne.s32 s2, $0x0  }
0x51: {  	s3 =	rddreg [dreg:$0x2];
	[bflag:$0x3] =	sbarrier.arrive $0xFFFF;
	s2 =	simm.s32 @!p0 $0x1C05  }
0x52: {  	[timem:s3], [sflag:s2] =	dma.local @!p0 [hbm:s0], s1  }
0x53: {  	s0 =	simm.s32 @!p0 $0x5  }
0x54: {  	_ =	swait.ge @!p0 [sflag:s0], s1  }
0x55: {  	s1 =	ssub.s32 @!p0 $0x0, s1;
	[sflag:s0] =	ssyncset.done @!p0 $0x0  }
0x56: {  	[sflag:s0] =	ssyncadd.s32 @!p0 s1  }
0x57: {  	[bflag:$0x3] =	sbarrier.arrive $0xFFFF  }
0x58: {  	_ =	shalt  }

</sc_bundles>
